<compile_context>
chip_gen: v7x
topology: tpu7x:2x2x1
jax: 0.10.2.dev20260603
libtpu: 0.0.44.dev20260713+nightly
codegen_flags: <defaults>
</compile_context>

<pallas_src>
import functools

import jax
import jax.numpy as jnp
from jax import lax
from jax.experimental import pallas as pl
from jax.experimental.pallas import tpu as pltpu
from jax.experimental.pallas import tpu_sc as plsc

NFEAT = 26
VOCAB = 100000
EMBED = 32
BATCH = 16384

NC = 2
NS = 16
NW = NC * NS
NCOL = NFEAT * EMBED
COLS_PW = NCOL // NW
OCH = 2048
NCHUNK = BATCH // OCH
GRP = OCH // 16
UNROLL = 16

_mesh = plsc.VectorSubcoreMesh(core_axis_name="c", subcore_axis_name="s")


@functools.partial(
    pl.kernel,
    mesh=_mesh,
    out_type=jax.ShapeDtypeStruct((NCOL, BATCH), jnp.float32),
    scratch_types=[
        pltpu.VMEM((VOCAB,), jnp.float32),
        pltpu.VMEM((BATCH,), jnp.int32),
        pltpu.VMEM((3, OCH), jnp.float32),
        pltpu.SemaphoreType.DMA,
    ],
    compiler_params=pltpu.CompilerParams(needs_layout_passes=False),
)
def _emb_lookup(x_hbm, tab_hbm, out_hbm, vocab_v, idx_v, outbuf, sem_out):
    wid = lax.axis_index("s") * NC + lax.axis_index("c")
    c0 = wid * COLS_PW

    def per_column(ci, _):
        c = c0 + ci
        f = c // EMBED
        e = c % EMBED

        @pl.when(jnp.logical_or(ci == 0, e == 0))
        def _():
            pltpu.sync_copy(x_hbm.at[f], idx_v)

        pltpu.sync_copy(tab_hbm.at[f, e], vocab_v)

        def per_chunk(k, _):
            g = ci * NCHUNK + k

            @pl.when(g >= 3)
            def _():
                pltpu.make_async_copy(
                    outbuf.at[0], out_hbm.at[c, pl.ds(0, OCH)], sem_out
                ).wait()

            buf = k % 3

            @plsc.parallel_loop(0, GRP, 1, unroll=UNROLL)
            def _(j):
                base = k * OCH + j * 16
                iv = idx_v[pl.ds(base, 16)]
                outbuf[buf, pl.ds(j * 16, 16)] = plsc.load_gather(
                    vocab_v, [iv]
                )
            pltpu.async_copy(
                outbuf.at[buf], out_hbm.at[c, pl.ds(k * OCH, OCH)], sem_out
            )
            return 0

        lax.fori_loop(0, NCHUNK, per_chunk, 0)
        return 0

    lax.fori_loop(0, COLS_PW, per_column, 0)

    for _ in range(3):
        pltpu.make_async_copy(
            outbuf.at[0], out_hbm.at[c0, pl.ds(0, OCH)], sem_out
        ).wait()


def kernel(x, tables):
    t2 = jnp.transpose(tables, (0, 2, 1))
    out = _emb_lookup(x.astype(jnp.int32), t2)
    return out.T

# --- scband reference (transcript-rebuilt; emitter-appended) ---
"""Pipeline reference for scband-embedding-layer-558345749257 (READ-ONLY COPY).

The authoritative reference and input builder live on the scoring server;
editing this copy changes nothing except your own understanding.
"""

import jax, jax.numpy as jnp
import numpy as np

NFEAT = 26
VOCAB = 100000
EMBED = 32
BATCH = 16384


def setup_inputs(seed: int = 0) -> dict:
    key = jax.random.key(seed)
    k_idx, k_tab = jax.random.split(key)
    # Dict input {col: LongTensor[batch]} flattened into a stacked [NFEAT, BATCH] index tensor
    indices = jax.random.randint(k_idx, (NFEAT, BATCH), 0, VOCAB)
    # One embedding table per feature column, stacked: [NFEAT, VOCAB, EMBED]
    tables = jax.random.normal(k_tab, (NFEAT, VOCAB, EMBED), dtype=jnp.float32)
    # padding_idx=0 in nn.Embedding -> row 0 of every table is zero
    tables = tables.at[:, 0, :].set(0.0)
    return {"x": indices, "tables": tables}


def reference(x, tables):
    # per-column embedding lookup: embs[f] = tables[f][x[f]]  -> [NFEAT, BATCH, EMBED]
    embs = jax.vmap(lambda t, i: jnp.take(t, i, axis=0))(tables, x)
    # torch.cat(embs, dim=-1): feature order concatenated along last dim -> [BATCH, NFEAT*EMBED]
    out = jnp.transpose(embs, (1, 0, 2)).reshape(embs.shape[1], NFEAT * EMBED)
    return out

if __name__ == "__main__":
    import jax
    _d = setup_inputs()
    print(jax.jit(kernel)(*tuple(_d.values())))

</pallas_src>

<mosaic_0001>
#map = affine_map<(d0, d1) -> (0, 0)>
#map1 = affine_map<(d0, d1) -> (0, 0, 0)>
module attributes {stable_mosaic.version = 14 : i64} {
  func.func @_emb_lookup(%arg0: i32, %arg1: i32, %arg2: memref<26x16384xi32, #tpu.memory_space<hbm>>, %arg3: memref<26x32x100000xf32, #tpu.memory_space<hbm>>, %arg4: memref<832x16384xf32, #tpu.memory_space<hbm>>, %arg5: memref<100000xf32, #tpu.memory_space<vmem>>, %arg6: memref<16384xi32, #tpu.memory_space<vmem>>, %arg7: memref<3x2048xf32, #tpu.memory_space<vmem>>, %arg8: memref<!tpu.dma_semaphore, #tpu.memory_space<semaphore_mem>>) attributes {dimension_semantics = [#tpu.dimension_semantics<core_parallel>, #tpu.dimension_semantics<subcore_parallel>], iteration_bounds = array<i64: 2, 16>, scalar_prefetch = 0 : i64, scratch_operands = 4 : i64, tpu.core_type = #tpu.core_type<sc_vector_subcore>, window_params = [{transform_indices = #map}, {transform_indices = #map1}, {transform_indices = #map}]} {
    %mul3A = arith.constant 2 : i32
    %mul3A_0 = arith.muli %arg1, %mul3A : i32
    %add3A = arith.addi %mul3A_0, %arg0 : i32
    %mul3A_1 = arith.constant 26 : i32
    %mul3A_2 = arith.muli %add3A, %mul3A_1 : i32
    %scan3A = arith.constant 0 : i32
    %scan3A_3 = arith.constant 0 : i32
    %scan3A_4 = arith.constant 26 : i32
    %scan3A_5 = arith.addi %scan3A_3, %scan3A_4 : i32
    %scan3A_6 = arith.constant 1 : i32
    %scan3A_7 = scf.for %scan3A_47 = %scan3A_3 to %scan3A_5 step %scan3A_6 iter_args(%scan3A_48 = %scan3A) -> (i32)  : i32 {
      %add3A_49 = arith.addi %mul3A_2, %scan3A_47 : i32
      %jit3A = arith.constant 32 : i32
      %div3A = arith.divsi %add3A_49, %jit3A : i32
      %sign3A = arith.constant 0 : i32
      %sign3A_50 = arith.cmpi sgt, %add3A_49, %sign3A : i32
      %sign3A_51 = arith.extui %sign3A_50 : i1 to i32
      %sign3A_52 = arith.constant 0 : i32
      %sign3A_53 = arith.cmpi slt, %add3A_49, %sign3A_52 : i32
      %sign3A_54 = arith.extui %sign3A_53 : i1 to i32
      %sign3A_55 = arith.subi %sign3A_51, %sign3A_54 : i32
      %sign3A_56 = arith.constant 0 : i32
      %sign3A_57 = arith.cmpi sgt, %jit3A, %sign3A_56 : i32
      %sign3A_58 = arith.extui %sign3A_57 : i1 to i32
      %sign3A_59 = arith.constant 0 : i32
      %sign3A_60 = arith.cmpi slt, %jit3A, %sign3A_59 : i32
      %sign3A_61 = arith.extui %sign3A_60 : i1 to i32
      %sign3A_62 = arith.subi %sign3A_58, %sign3A_61 : i32
      %ne3A = arith.cmpi ne, %sign3A_55, %sign3A_62 : i32
      %rem3A = arith.remsi %add3A_49, %jit3A : i32
      %ne3A_63 = arith.constant 0 : i32
      %ne3A_64 = arith.cmpi ne, %rem3A, %ne3A_63 : i32
      %and3A = arith.andi %ne3A, %ne3A_64 : i1
      %sub3A = arith.constant 1 : i32
      %sub3A_65 = arith.subi %div3A, %sub3A : i32
      %select_n3A = arith.select %and3A, %sub3A_65, %div3A : i32
      %jit3A_66 = arith.constant 32 : i32
      %eq3A = arith.constant 0 : i32
      %eq3A_67 = arith.cmpi eq, %jit3A_66, %eq3A : i32
      %jit3A_68 = arith.constant 1 : i32
      %select_n3A_69 = arith.select %eq3A_67, %jit3A_68, %jit3A_66 : i32
      %rem3A_70 = arith.remsi %add3A_49, %select_n3A_69 : i32
      %ne3A_71 = arith.constant 0 : i32
      %ne3A_72 = arith.cmpi ne, %rem3A_70, %ne3A_71 : i32
      %lt3A = arith.constant 0 : i32
      %lt3A_73 = arith.cmpi slt, %rem3A_70, %lt3A : i32
      %lt3A_74 = arith.constant 0 : i32
      %lt3A_75 = arith.cmpi slt, %select_n3A_69, %lt3A_74 : i32
      %ne3A_76 = arith.xori %lt3A_73, %lt3A_75 : i1
      %and3A_77 = arith.andi %ne3A_76, %ne3A_72 : i1
      %add3A_78 = arith.addi %rem3A_70, %select_n3A_69 : i32
      %select_n3A_79 = arith.select %and3A_77, %add3A_78, %rem3A_70 : i32
      %eq3A_80 = arith.constant 0 : i32
      %eq3A_81 = arith.cmpi eq, %scan3A_47, %eq3A_80 : i32
      %eq3A_82 = arith.constant 0 : i32
      %eq3A_83 = arith.cmpi eq, %select_n3A_79, %eq3A_82 : i32
      %or3A = arith.ori %eq3A_81, %eq3A_83 : i1
      %convert_element_type3A = arith.extui %or3A : i1 to i32
      %cond3A = arith.constant 0 : i32
      %cond3A_84 = arith.cmpi ne, %convert_element_type3A, %cond3A : i32
      scf.if %cond3A_84 {
        "tpu.region"() ({
          %run_scoped3A = tpu.sem_alloc : memref<!tpu.dma_semaphore, #tpu.memory_space<semaphore_mem>>
          %dma_start3A = arith.constant 0 : i32
          %dma_start3A_93 = tpu.memref_slice %arg2[%select_n3A, %dma_start3A] : memref<26x16384xi32, #tpu.memory_space<hbm>> -> memref<1x16384xi32, #tpu.memory_space<hbm>>
          %dma_start3A_94 = tpu.memref_squeeze %dma_start3A_93 : memref<1x16384xi32, #tpu.memory_space<hbm>> -> memref<16384xi32, #tpu.memory_space<hbm>>
          %dma_start3A_95 = arith.constant 0 : i32
          %dma_start3A_96 = tpu.memref_slice %arg2[%select_n3A, %dma_start3A_95] : memref<26x16384xi32, #tpu.memory_space<hbm>> -> memref<1x16384xi32, #tpu.memory_space<hbm>>
          %dma_start3A_97 = tpu.memref_squeeze %dma_start3A_96 : memref<1x16384xi32, #tpu.memory_space<hbm>> -> memref<16384xi32, #tpu.memory_space<hbm>>
          tpu.enqueue_dma source(%dma_start3A_97 : memref<16384xi32, #tpu.memory_space<hbm>>) target(%arg6 : memref<16384xi32, #tpu.memory_space<vmem>>) target_semaphore(%run_scoped3A : memref<!tpu.dma_semaphore, #tpu.memory_space<semaphore_mem>>)
          %dma_wait3A_98 = arith.constant 0 : i32
          %dma_wait3A_99 = tpu.memref_slice %arg2[%select_n3A, %dma_wait3A_98] : memref<26x16384xi32, #tpu.memory_space<hbm>> -> memref<1x16384xi32, #tpu.memory_space<hbm>>
          %dma_wait3A_100 = tpu.memref_squeeze %dma_wait3A_99 : memref<1x16384xi32, #tpu.memory_space<hbm>> -> memref<16384xi32, #tpu.memory_space<hbm>>
          %dma_wait3A_101 = arith.constant 0 : i32
          %dma_wait3A_102 = tpu.memref_slice %arg2[%select_n3A, %dma_wait3A_101] : memref<26x16384xi32, #tpu.memory_space<hbm>> -> memref<1x16384xi32, #tpu.memory_space<hbm>>
          %dma_wait3A_103 = tpu.memref_squeeze %dma_wait3A_102 : memref<1x16384xi32, #tpu.memory_space<hbm>> -> memref<16384xi32, #tpu.memory_space<hbm>>
          tpu.wait_dma2 semaphore(%run_scoped3A : memref<!tpu.dma_semaphore, #tpu.memory_space<semaphore_mem>>) src(%dma_wait3A_103 : memref<16384xi32, #tpu.memory_space<hbm>>) dst(%arg6 : memref<16384xi32, #tpu.memory_space<vmem>>)
          tpu.yield
        }) : () -> ()
      } else {
      }
      "tpu.region"() ({
        %run_scoped3A = tpu.sem_alloc : memref<!tpu.dma_semaphore, #tpu.memory_space<semaphore_mem>>
        %dma_start3A = arith.constant 0 : i32
        %dma_start3A_93 = tpu.memref_slice %arg3[%select_n3A, %select_n3A_79, %dma_start3A] : memref<26x32x100000xf32, #tpu.memory_space<hbm>> -> memref<1x1x100000xf32, #tpu.memory_space<hbm>>
        %dma_start3A_94 = tpu.memref_squeeze %dma_start3A_93 : memref<1x1x100000xf32, #tpu.memory_space<hbm>> -> memref<100000xf32, #tpu.memory_space<hbm>>
        %dma_start3A_95 = arith.constant 0 : i32
        %dma_start3A_96 = tpu.memref_slice %arg3[%select_n3A, %select_n3A_79, %dma_start3A_95] : memref<26x32x100000xf32, #tpu.memory_space<hbm>> -> memref<1x1x100000xf32, #tpu.memory_space<hbm>>
        %dma_start3A_97 = tpu.memref_squeeze %dma_start3A_96 : memref<1x1x100000xf32, #tpu.memory_space<hbm>> -> memref<100000xf32, #tpu.memory_space<hbm>>
        tpu.enqueue_dma source(%dma_start3A_97 : memref<100000xf32, #tpu.memory_space<hbm>>) target(%arg5 : memref<100000xf32, #tpu.memory_space<vmem>>) target_semaphore(%run_scoped3A : memref<!tpu.dma_semaphore, #tpu.memory_space<semaphore_mem>>)
        %dma_wait3A_98 = arith.constant 0 : i32
        %dma_wait3A_99 = tpu.memref_slice %arg3[%select_n3A, %select_n3A_79, %dma_wait3A_98] : memref<26x32x100000xf32, #tpu.memory_space<hbm>> -> memref<1x1x100000xf32, #tpu.memory_space<hbm>>
        %dma_wait3A_100 = tpu.memref_squeeze %dma_wait3A_99 : memref<1x1x100000xf32, #tpu.memory_space<hbm>> -> memref<100000xf32, #tpu.memory_space<hbm>>
        %dma_wait3A_101 = arith.constant 0 : i32
        %dma_wait3A_102 = tpu.memref_slice %arg3[%select_n3A, %select_n3A_79, %dma_wait3A_101] : memref<26x32x100000xf32, #tpu.memory_space<hbm>> -> memref<1x1x100000xf32, #tpu.memory_space<hbm>>
        %dma_wait3A_103 = tpu.memref_squeeze %dma_wait3A_102 : memref<1x1x100000xf32, #tpu.memory_space<hbm>> -> memref<100000xf32, #tpu.memory_space<hbm>>
        tpu.wait_dma2 semaphore(%run_scoped3A : memref<!tpu.dma_semaphore, #tpu.memory_space<semaphore_mem>>) src(%dma_wait3A_103 : memref<100000xf32, #tpu.memory_space<hbm>>) dst(%arg5 : memref<100000xf32, #tpu.memory_space<vmem>>)
        tpu.yield
      }) : () -> ()
      %scan3A_85 = arith.constant 0 : i32
      %scan3A_86 = arith.constant 0 : i32
      %scan3A_87 = arith.constant 8 : i32
      %scan3A_88 = arith.addi %scan3A_86, %scan3A_87 : i32
      %scan3A_89 = arith.constant 1 : i32
      %scan3A_90 = scf.for %scan3A_93 = %scan3A_86 to %scan3A_88 step %scan3A_89 iter_args(%scan3A_94 = %scan3A_85) -> (i32)  : i32 {
        %mul3A_95 = arith.constant 8 : i32
        %mul3A_96 = arith.muli %scan3A_47, %mul3A_95 : i32
        %add3A_97 = arith.addi %mul3A_96, %scan3A_93 : i32
        %ge3A = arith.constant 3 : i32
        %ge3A_98 = arith.cmpi sge, %add3A_97, %ge3A : i32
        %convert_element_type3A_99 = arith.extui %ge3A_98 : i1 to i32
        %cond3A_100 = arith.constant 0 : i32
        %cond3A_101 = arith.cmpi ne, %convert_element_type3A_99, %cond3A_100 : i32
        scf.if %cond3A_101 {
          %dma_wait3A_132 = arith.constant 0 : i32
          %dma_wait3A_133 = arith.constant 0 : i32
          %dma_wait3A_134 = tpu.memref_slice %arg7[%dma_wait3A_132, %dma_wait3A_133] : memref<3x2048xf32, #tpu.memory_space<vmem>> -> memref<1x2048xf32, #tpu.memory_space<vmem>>
          %dma_wait3A_135 = tpu.memref_squeeze %dma_wait3A_134 : memref<1x2048xf32, #tpu.memory_space<vmem>> -> memref<2048xf32, #tpu.memory_space<vmem>>
          %dma_wait3A_136 = arith.constant 0 : i32
          %dma_wait3A_137 = tpu.memref_slice %arg4[%add3A_49, %dma_wait3A_136] : memref<832x16384xf32, #tpu.memory_space<hbm>> -> memref<1x2048xf32, #tpu.memory_space<hbm>>
          %dma_wait3A_138 = tpu.memref_squeeze %dma_wait3A_137 : memref<1x2048xf32, #tpu.memory_space<hbm>> -> memref<2048xf32, #tpu.memory_space<hbm>>
          %dma_wait3A_139 = arith.constant 0 : i32
          %dma_wait3A_140 = tpu.memref_slice %arg4[%add3A_49, %dma_wait3A_139] : memref<832x16384xf32, #tpu.memory_space<hbm>> -> memref<1x2048xf32, #tpu.memory_space<hbm>>
          %dma_wait3A_141 = tpu.memref_squeeze %dma_wait3A_140 : memref<1x2048xf32, #tpu.memory_space<hbm>> -> memref<2048xf32, #tpu.memory_space<hbm>>
          %dma_wait3A_142 = arith.constant 0 : i32
          %dma_wait3A_143 = tpu.memref_slice %arg7[%dma_wait3A_132, %dma_wait3A_142] : memref<3x2048xf32, #tpu.memory_space<vmem>> -> memref<1x2048xf32, #tpu.memory_space<vmem>>
          %dma_wait3A_144 = tpu.memref_squeeze %dma_wait3A_143 : memref<1x2048xf32, #tpu.memory_space<vmem>> -> memref<2048xf32, #tpu.memory_space<vmem>>
          tpu.wait_dma2 semaphore(%arg8 : memref<!tpu.dma_semaphore, #tpu.memory_space<semaphore_mem>>) src(%dma_wait3A_144 : memref<2048xf32, #tpu.memory_space<vmem>>) dst(%dma_wait3A_141 : memref<2048xf32, #tpu.memory_space<hbm>>)
        } else {
        }
        %jit3A_102 = arith.constant 3 : i32
        %eq3A_103 = arith.constant 0 : i32
        %eq3A_104 = arith.cmpi eq, %jit3A_102, %eq3A_103 : i32
        %jit3A_105 = arith.constant 1 : i32
        %select_n3A_106 = arith.select %eq3A_104, %jit3A_105, %jit3A_102 : i32
        %rem3A_107 = arith.remsi %scan3A_93, %select_n3A_106 : i32
        %ne3A_108 = arith.constant 0 : i32
        %ne3A_109 = arith.cmpi ne, %rem3A_107, %ne3A_108 : i32
        %lt3A_110 = arith.constant 0 : i32
        %lt3A_111 = arith.cmpi slt, %rem3A_107, %lt3A_110 : i32
        %lt3A_112 = arith.constant 0 : i32
        %lt3A_113 = arith.cmpi slt, %select_n3A_106, %lt3A_112 : i32
        %ne3A_114 = arith.xori %lt3A_111, %lt3A_113 : i1
        %and3A_115 = arith.andi %ne3A_114, %ne3A_109 : i1
        %add3A_116 = arith.addi %rem3A_107, %select_n3A_106 : i32
        %select_n3A_117 = arith.select %and3A_115, %add3A_116, %rem3A_107 : i32
        %parallel_loop3A = arith.constant 0 : i32
        %parallel_loop3A_118 = arith.constant 128 : i32
        %parallel_loop3A_119 = arith.constant 1 : i32
        scf.for %parallel_loop3A_132 = %parallel_loop3A to %parallel_loop3A_118 step %parallel_loop3A_119  : i32 {
          %parallel_loop3A_133 = arith.constant 2048 : i32
          %parallel_loop3A_134 = arith.muli %scan3A_93, %parallel_loop3A_133 : i32
          %parallel_loop3A_135 = arith.constant 16 : i32
          %parallel_loop3A_136 = arith.muli %parallel_loop3A_132, %parallel_loop3A_135 : i32
          %parallel_loop3A_137 = arith.addi %parallel_loop3A_134, %parallel_loop3A_136 : i32
          %parallel_loop3A_138 = arith.index_cast %parallel_loop3A_137 : i32 to index
          %parallel_loop3A_139 = tpu.vector_load %arg6[%parallel_loop3A_138] {strides = array<i32>} : memref<16384xi32, #tpu.memory_space<vmem>>, vector<16xi32>,
          %parallel_loop3A_140 = tpu.vector_load_idx %arg5[%parallel_loop3A_139] : memref<100000xf32, #tpu.memory_space<vmem>>[vector<16xi32>], vector<16xf32>,
          %parallel_loop3A_141 = arith.constant 16 : i32
          %parallel_loop3A_142 = arith.muli %parallel_loop3A_132, %parallel_loop3A_141 : i32
          %parallel_loop3A_143 = arith.index_cast %select_n3A_117 : i32 to index
          %parallel_loop3A_144 = arith.index_cast %parallel_loop3A_142 : i32 to index
          %parallel_loop3A_145 = tpu.vector_load %arg7[%parallel_loop3A_143, %parallel_loop3A_144] {strides = array<i32>} : memref<3x2048xf32, #tpu.memory_space<vmem>>, vector<16xf32>,
          tpu.vector_store %arg7[%parallel_loop3A_143, %parallel_loop3A_144], %parallel_loop3A_140 {strides = array<i32>} : memref<3x2048xf32, #tpu.memory_space<vmem>>, vector<16xf32>,
        } {sc.loop_unroll_factor = 16 : i64, sc.parallel_access}
        %mul3A_120 = arith.constant 2048 : i32
        %mul3A_121 = arith.muli %scan3A_93, %mul3A_120 : i32
        %dma_start3A = arith.constant 0 : i32
        %dma_start3A_122 = tpu.memref_slice %arg7[%select_n3A_117, %dma_start3A] : memref<3x2048xf32, #tpu.memory_space<vmem>> -> memref<1x2048xf32, #tpu.memory_space<vmem>>
        %dma_start3A_123 = tpu.memref_squeeze %dma_start3A_122 : memref<1x2048xf32, #tpu.memory_space<vmem>> -> memref<2048xf32, #tpu.memory_space<vmem>>
        %dma_start3A_124 = tpu.memref_slice %arg4[%add3A_49, %mul3A_121] : memref<832x16384xf32, #tpu.memory_space<hbm>> -> memref<1x2048xf32, #tpu.memory_space<hbm>>
        %dma_start3A_125 = tpu.memref_squeeze %dma_start3A_124 : memref<1x2048xf32, #tpu.memory_space<hbm>> -> memref<2048xf32, #tpu.memory_space<hbm>>
        %dma_start3A_126 = tpu.memref_slice %arg4[%add3A_49, %mul3A_121] : memref<832x16384xf32, #tpu.memory_space<hbm>> -> memref<1x2048xf32, #tpu.memory_space<hbm>>
        %dma_start3A_127 = tpu.memref_squeeze %dma_start3A_126 : memref<1x2048xf32, #tpu.memory_space<hbm>> -> memref<2048xf32, #tpu.memory_space<hbm>>
        %dma_start3A_128 = arith.constant 0 : i32
        %dma_start3A_129 = tpu.memref_slice %arg7[%select_n3A_117, %dma_start3A_128] : memref<3x2048xf32, #tpu.memory_space<vmem>> -> memref<1x2048xf32, #tpu.memory_space<vmem>>
        %dma_start3A_130 = tpu.memref_squeeze %dma_start3A_129 : memref<1x2048xf32, #tpu.memory_space<vmem>> -> memref<2048xf32, #tpu.memory_space<vmem>>
        tpu.enqueue_dma source(%dma_start3A_130 : memref<2048xf32, #tpu.memory_space<vmem>>) target(%dma_start3A_127 : memref<2048xf32, #tpu.memory_space<hbm>>) target_semaphore(%arg8 : memref<!tpu.dma_semaphore, #tpu.memory_space<semaphore_mem>>)
        %scan3A_131 = arith.constant 0 : i32
        scf.yield %scan3A_131 : i32
      }
      %scan3A_91 = arith.constant 8 : i32
      %scan3A_92 = arith.constant 0 : i32
      scf.yield %scan3A_92 : i32
    }
    %scan3A_8 = arith.constant 26 : i32
    %dma_wait3A = arith.constant 0 : i32
    %dma_wait3A_9 = arith.constant 0 : i32
    %dma_wait3A_10 = tpu.memref_slice %arg7[%dma_wait3A, %dma_wait3A_9] : memref<3x2048xf32, #tpu.memory_space<vmem>> -> memref<1x2048xf32, #tpu.memory_space<vmem>>
    %dma_wait3A_11 = tpu.memref_squeeze %dma_wait3A_10 : memref<1x2048xf32, #tpu.memory_space<vmem>> -> memref<2048xf32, #tpu.memory_space<vmem>>
    %dma_wait3A_12 = arith.constant 0 : i32
    %dma_wait3A_13 = tpu.memref_slice %arg4[%mul3A_2, %dma_wait3A_12] : memref<832x16384xf32, #tpu.memory_space<hbm>> -> memref<1x2048xf32, #tpu.memory_space<hbm>>
    %dma_wait3A_14 = tpu.memref_squeeze %dma_wait3A_13 : memref<1x2048xf32, #tpu.memory_space<hbm>> -> memref<2048xf32, #tpu.memory_space<hbm>>
    %dma_wait3A_15 = arith.constant 0 : i32
    %dma_wait3A_16 = tpu.memref_slice %arg4[%mul3A_2, %dma_wait3A_15] : memref<832x16384xf32, #tpu.memory_space<hbm>> -> memref<1x2048xf32, #tpu.memory_space<hbm>>
    %dma_wait3A_17 = tpu.memref_squeeze %dma_wait3A_16 : memref<1x2048xf32, #tpu.memory_space<hbm>> -> memref<2048xf32, #tpu.memory_space<hbm>>
    %dma_wait3A_18 = arith.constant 0 : i32
    %dma_wait3A_19 = tpu.memref_slice %arg7[%dma_wait3A, %dma_wait3A_18] : memref<3x2048xf32, #tpu.memory_space<vmem>> -> memref<1x2048xf32, #tpu.memory_space<vmem>>
    %dma_wait3A_20 = tpu.memref_squeeze %dma_wait3A_19 : memref<1x2048xf32, #tpu.memory_space<vmem>> -> memref<2048xf32, #tpu.memory_space<vmem>>
    tpu.wait_dma2 semaphore(%arg8 : memref<!tpu.dma_semaphore, #tpu.memory_space<semaphore_mem>>) src(%dma_wait3A_20 : memref<2048xf32, #tpu.memory_space<vmem>>) dst(%dma_wait3A_17 : memref<2048xf32, #tpu.memory_space<hbm>>)
    %dma_wait3A_21 = arith.constant 0 : i32
    %dma_wait3A_22 = arith.constant 0 : i32
    %dma_wait3A_23 = tpu.memref_slice %arg7[%dma_wait3A_21, %dma_wait3A_22] : memref<3x2048xf32, #tpu.memory_space<vmem>> -> memref<1x2048xf32, #tpu.memory_space<vmem>>
    %dma_wait3A_24 = tpu.memref_squeeze %dma_wait3A_23 : memref<1x2048xf32, #tpu.memory_space<vmem>> -> memref<2048xf32, #tpu.memory_space<vmem>>
    %dma_wait3A_25 = arith.constant 0 : i32
    %dma_wait3A_26 = tpu.memref_slice %arg4[%mul3A_2, %dma_wait3A_25] : memref<832x16384xf32, #tpu.memory_space<hbm>> -> memref<1x2048xf32, #tpu.memory_space<hbm>>
    %dma_wait3A_27 = tpu.memref_squeeze %dma_wait3A_26 : memref<1x2048xf32, #tpu.memory_space<hbm>> -> memref<2048xf32, #tpu.memory_space<hbm>>
    %dma_wait3A_28 = arith.constant 0 : i32
    %dma_wait3A_29 = tpu.memref_slice %arg4[%mul3A_2, %dma_wait3A_28] : memref<832x16384xf32, #tpu.memory_space<hbm>> -> memref<1x2048xf32, #tpu.memory_space<hbm>>
    %dma_wait3A_30 = tpu.memref_squeeze %dma_wait3A_29 : memref<1x2048xf32, #tpu.memory_space<hbm>> -> memref<2048xf32, #tpu.memory_space<hbm>>
    %dma_wait3A_31 = arith.constant 0 : i32
    %dma_wait3A_32 = tpu.memref_slice %arg7[%dma_wait3A_21, %dma_wait3A_31] : memref<3x2048xf32, #tpu.memory_space<vmem>> -> memref<1x2048xf32, #tpu.memory_space<vmem>>
    %dma_wait3A_33 = tpu.memref_squeeze %dma_wait3A_32 : memref<1x2048xf32, #tpu.memory_space<vmem>> -> memref<2048xf32, #tpu.memory_space<vmem>>
    tpu.wait_dma2 semaphore(%arg8 : memref<!tpu.dma_semaphore, #tpu.memory_space<semaphore_mem>>) src(%dma_wait3A_33 : memref<2048xf32, #tpu.memory_space<vmem>>) dst(%dma_wait3A_30 : memref<2048xf32, #tpu.memory_space<hbm>>)
    %dma_wait3A_34 = arith.constant 0 : i32
    %dma_wait3A_35 = arith.constant 0 : i32
    %dma_wait3A_36 = tpu.memref_slice %arg7[%dma_wait3A_34, %dma_wait3A_35] : memref<3x2048xf32, #tpu.memory_space<vmem>> -> memref<1x2048xf32, #tpu.memory_space<vmem>>
    %dma_wait3A_37 = tpu.memref_squeeze %dma_wait3A_36 : memref<1x2048xf32, #tpu.memory_space<vmem>> -> memref<2048xf32, #tpu.memory_space<vmem>>
    %dma_wait3A_38 = arith.constant 0 : i32
    %dma_wait3A_39 = tpu.memref_slice %arg4[%mul3A_2, %dma_wait3A_38] : memref<832x16384xf32, #tpu.memory_space<hbm>> -> memref<1x2048xf32, #tpu.memory_space<hbm>>
    %dma_wait3A_40 = tpu.memref_squeeze %dma_wait3A_39 : memref<1x2048xf32, #tpu.memory_space<hbm>> -> memref<2048xf32, #tpu.memory_space<hbm>>
    %dma_wait3A_41 = arith.constant 0 : i32
    %dma_wait3A_42 = tpu.memref_slice %arg4[%mul3A_2, %dma_wait3A_41] : memref<832x16384xf32, #tpu.memory_space<hbm>> -> memref<1x2048xf32, #tpu.memory_space<hbm>>
    %dma_wait3A_43 = tpu.memref_squeeze %dma_wait3A_42 : memref<1x2048xf32, #tpu.memory_space<hbm>> -> memref<2048xf32, #tpu.memory_space<hbm>>
    %dma_wait3A_44 = arith.constant 0 : i32
    %dma_wait3A_45 = tpu.memref_slice %arg7[%dma_wait3A_34, %dma_wait3A_44] : memref<3x2048xf32, #tpu.memory_space<vmem>> -> memref<1x2048xf32, #tpu.memory_space<vmem>>
    %dma_wait3A_46 = tpu.memref_squeeze %dma_wait3A_45 : memref<1x2048xf32, #tpu.memory_space<vmem>> -> memref<2048xf32, #tpu.memory_space<vmem>>
    tpu.wait_dma2 semaphore(%arg8 : memref<!tpu.dma_semaphore, #tpu.memory_space<semaphore_mem>>) src(%dma_wait3A_46 : memref<2048xf32, #tpu.memory_space<vmem>>) dst(%dma_wait3A_43 : memref<2048xf32, #tpu.memory_space<hbm>>)
    return
  }
}

</mosaic_0001>

<sc_bundles>
// kernel: kernel.3.cloned.1.call-start
scs
__scs_entry_jumppad:
0x0: {  	(pc) =	sbr.rel $0x88, $3  }
0x1: {  	(tag) =	ssettag $0x0;
	lr =	simm.s32 $0x1  }
0x2: {  	[smem:$0x3F9F] =	sst lr;
	_ =	strace $0xD0000000  }
0x3: {  	_ = 	snop  }
0x4: {  	_ = 	snop  }
0x5: {  	_ = 	snop  }
0x6: {  	_ = 	snop  }
0x7: {  	_ = 	snop  }
__scs_overlays_trampoline_lowered:
0x8: {  	[smem:$0x3FAE] =	sst s0  }
0x9: {  	[smem:$0x3FAF] =	sst s1  }
0xa: {  	[smem:$0x3FB0] =	sst s2  }
0xb: {  	[smem:$0x3FB1] =	sst s3  }
0xc: {  	[smem:$0x3FB2] =	sst s4  }
0xd: {  	[smem:$0x3FB3] =	sst s5  }
0xe: {  	[smem:$0x3FB4] =	sst s6  }
0xf: {  	[smem:$0x3FB5] =	sst s7  }
0x10: {  	[smem:$0x3FB6] =	sst s8  }
0x11: {  	[smem:$0x3FB7] =	sst s9;
	s0 =	simm.s32 @!p0 $0x0  }
0x12: {  	s1 =	sld [smem:$0x3F9D];
	s0 =	simm.s32 @p0 $0x1  }
0x13: {  	[smem:$0x3FB8] =	sst s0;
	s0 =	simm.s32 @!p1 $0x0  }
0x14: {  	s2 =	sld [smem:$0x3F9C];
	s0 =	simm.s32 @p1 $0x1  }
0x15: {  	[smem:$0x3FB9] =	sst s0;
	s0 =	simm.s32 @!p2 $0x0  }
0x16: {  	s3 =	sld [smem:$0x3FDB];
	s0 =	simm.s32 @p2 $0x1  }
0x17: {  	s4 =	simm.s32 $0x1BF5;
	[smem:$0x3FBB] =	sst s0  }
0x18: {  	s0 =	sld [smem:$0x3F9E];
	_ =	swait.ge [sflag:s4], $0x0  }
0x19: {  	s7 =	sld [smem:$0x3F9F]  }
0x1a: {  	s8 =	sadd.s32 $0xFFFFE003, lr  }
0x1b: {  	s9 =	sadd.s32 $0xFFFFFEF7, lr;
	s5 =	simm.s32 $0xFFFFFFFF;
	p2 =	slt.u32 s8, $0xFFFFF086  }
0x1c: {  	p1 =	slt.u32 s9, $0xF7A;
	s5 =	simm.s32 @!p2 $0x0  }
0x1d: {  	s5 =	simm.s32 @p1 $0x1;
	p0 =	seq.s32 s7, s2  }
0x1e: {  	s7 =	smul.u32 @!p0 $0xF7A, s2;
	p2 =	seq.s32 @!p0 s5, $0x0  }
0x1f: {  	s9 =	smul.u32 $0xF7A, s1;
	s8 =	simm.s32 @!p0 $0x1BF5;
	p2 =	por !p2, p0  }
0x20: {  	[sflag:s8] =	ssyncset.s32 @!p0 $0xFFFFF086;
	s6 =	sadd.s32 @!p0 s3, s7;
	s7 =	simm.s32 @!p0 $0x108  }
0x21: {  	s3 =	sadd.s32 s3, s9;
	s6 =	sadd.s32 @!p0 $0x88, s6;
	s7 =	simm.s32 @p2 $0x1082  }
0x22: {  	[simem:s7], [sflag:s8] =	dma.local @!p0 [hbm:s6], $0xF7A  }
0x23: {  	s9 =	sor.u32 $0xD0000000, s2;
	s6 =	simm.s32 $0x108;
	_ =	swait.ge @!p0 [sflag:s8], $0x0  }
0x24: {  	s3 =	sadd.s32 $0x88, s3;
	s6 =	simm.s32 @!p1 $0x1082;
	[sflag:s4] =	ssyncset.s32 $0xFFFFF086  }
0x25: {  	[simem:s6], [sflag:s4] =	dma.local [hbm:s3], $0xF7A  }
0x26: {  	[smem:$0x3F9F] =	sst s1;
	(tag) =	ssettag s2;
	_ =	strace s9  }
0x27: {  	s1 =	sld [smem:$0x3FAF]  }
0x28: {  	s2 =	sld [smem:$0x3FB0]  }
0x29: {  	s4 =	sld [smem:$0x3FB2]  }
0x2a: {  	p0 =	seq.s32 s5, $0x0;
	s5 =	sld [smem:$0x3FB3]  }
0x2b: {  	s6 =	sld [smem:$0x3FB4]  }
0x2c: {  	s7 =	sld [smem:$0x3FB5]  }
0x2d: {  	s3 =	simm.s32 $0x108;
	s8 =	sld [smem:$0x3FB6]  }
0x2e: {  	s3 =	simm.s32 @!p0 $0x1082;
	s9 =	sld [smem:$0x3FB7]  }
0x2f: {  	lr =	sadd.s32 s0, s3;
	s0 =	sld [smem:$0x3FAE]  }
0x30: {  	s3 =	sld [smem:$0x3FB1]  }
0x31: {  	[smem:$0x3FBA] =	sst s10  }
0x32: {  	s10 =	sld [smem:$0x3FB8];
	_ =	sdelay $0x3  }
0x33: {  	p0 =	seq.s32 s10, $0x1;
	s10 =	sld [smem:$0x3FBA];
	_ =	sdelay $0x3  }
0x34: {  	[smem:$0x3FBA] =	sst s10  }
0x35: {  	s10 =	sld [smem:$0x3FB9];
	_ =	sdelay $0x3  }
0x36: {  	p1 =	seq.s32 s10, $0x1;
	s10 =	sld [smem:$0x3FBA];
	_ =	sdelay $0x3  }
0x37: {  	[smem:$0x3FBA] =	sst s10  }
0x38: {  	s10 =	sld [smem:$0x3FBB]  }
0x39: {  	_ = 	snop;
	(pc) =	sbr.ind lr, $3  }
0x3a: {  	_ = 	snop  }
0x3b: {  	_ = 	snop  }
0x3c: {  	p2 =	seq.s32 s10, $0x1;
	s10 =	sld [smem:$0x3FBA]  }
0x3d: {  	_ =	shalt  }
0x3e: {  	_ =	shalt  }
0x3f: {  	_ =	shalt  }
0x40: {  	_ =	shalt  }
0x41: {  	_ =	shalt  }
0x42: {  	_ =	shalt  }
0x43: {  	_ =	shalt  }
0x44: {  	_ =	shalt  }
0x45: {  	_ =	shalt  }
0x46: {  	_ =	shalt  }
0x47: {  	_ =	shalt  }
0x48: {  	_ =	shalt  }
0x49: {  	_ =	shalt  }
0x4a: {  	_ =	shalt  }
0x4b: {  	_ =	shalt  }
0x4c: {  	_ =	shalt  }
0x4d: {  	_ =	shalt  }
0x4e: {  	_ =	shalt  }
0x4f: {  	_ =	shalt  }
0x50: {  	_ =	shalt  }
0x51: {  	_ =	shalt  }
0x52: {  	_ =	shalt  }
0x53: {  	_ =	shalt  }
0x54: {  	_ =	shalt  }
0x55: {  	_ =	shalt  }
0x56: {  	_ =	shalt  }
0x57: {  	_ =	shalt  }
0x58: {  	_ =	shalt  }
0x59: {  	_ =	shalt  }
0x5a: {  	_ =	shalt  }
0x5b: {  	_ =	shalt  }
0x5c: {  	_ =	shalt  }
0x5d: {  	_ =	shalt  }
0x5e: {  	_ =	shalt  }
0x5f: {  	_ =	shalt  }
0x60: {  	_ =	shalt  }
0x61: {  	_ =	shalt  }
0x62: {  	_ =	shalt  }
0x63: {  	_ =	shalt  }
0x64: {  	_ =	shalt  }
0x65: {  	_ =	shalt  }
0x66: {  	_ =	shalt  }
0x67: {  	_ =	shalt  }
0x68: {  	_ =	shalt  }
0x69: {  	_ =	shalt  }
0x6a: {  	_ =	shalt  }
0x6b: {  	_ =	shalt  }
0x6c: {  	_ =	shalt  }
0x6d: {  	_ =	shalt  }
0x6e: {  	_ =	shalt  }
0x6f: {  	_ =	shalt  }
0x70: {  	_ =	shalt  }
0x71: {  	_ =	shalt  }
0x72: {  	_ =	shalt  }
0x73: {  	_ =	shalt  }
0x74: {  	_ =	shalt  }
0x75: {  	_ =	shalt  }
0x76: {  	_ =	shalt  }
0x77: {  	_ =	shalt  }
0x78: {  	_ =	shalt  }
0x79: {  	_ =	shalt  }
0x7a: {  	_ =	shalt  }
0x7b: {  	_ =	shalt  }
0x7c: {  	_ =	shalt  }
0x7d: {  	_ =	shalt  }
0x7e: {  	_ =	shalt  }
0x7f: {  	_ =	shalt  }
0x80: {  	_ =	shalt  }
0x81: {  	_ =	shalt  }
0x82: {  	_ =	shalt  }
0x83: {  	_ =	shalt  }
0x84: {  	_ =	shalt  }
0x85: {  	_ =	shalt  }
0x86: {  	_ =	shalt  }
0x87: {  	_ =	shalt  }
.Lfunc_end0:
.L_simem_size_0:
called_computation_lowered:
.L_overlay_start_0:
0x88: {  	s2 =	sld [smem:$0x3FD9]  }
0x89: {  	s3 =	sld [smem:$0x3FFE];
	_ =	sdelay $0x1  }
0x8a: {  	s1 =	srdreg.scid  }
0x8b: {  	s0 =	sand.u32 $0x1, s1  }
0x8c: {  	s18 =	sshll.u32 s0, $0xA;
	s2 =	sadd.s32 s3, s2  }
0x8d: {  	s2 =	sadd.s32 s2, s18  }
0x8e: {  	[smem:$0x3FC6] =	sst s2  }
0x8f: {  	_ = 	snop  }
0x90: {  	s2 =	sld [smem:$0x3FC9]  }
0x91: {  	s19 =	sld [smem:$0x3FC8]  }
0x92: {  	s4 =	sld [smem:$0x3FD0];
	(tm) =	ssettm $0x1  }
0x93: {  	s5 =	sld [smem:$0x3FFB];
	_ =	sdelay $0x3  }
0x94: {  	_ =	strace s5  }
0x95: {  	s5 =	sld [smem:$0x3FFC];
	_ =	sdelay $0x3  }
0x96: {  	_ =	strace s5  }
0x97: {  	s5 =	sld [smem:$0x3FFD];
	_ =	sdelay $0x3  }
0x98: {  	_ =	strace s5  }
0x99: {  	_ =	strace $0x8FFFFFFF  }
0x9a: {  	s20 =	sld [smem:$0x3FDB];
	_ =	sdelay $0x1  }
0x9b: {  	s6 =	simm.s32 $_scs_section_size  }
0x9c: {  	s7 =	simm.s32 $_size__tile_overlayer_lowered;
	s8 =	simm.s32 $_tile_overlayer_lowered  }
0x9d: {  	s23 =	simm.s32 $0x1BFF;
	s22 =	sshll.u32 s8, $0x1;
	s5 =	sadd.s32 s6, s20  }
0x9e: {  	s9 =	simm.s32 $0x0;
	s21 =	sshll.u32 s7, $0x1;
	s7 =	sadd.s32 s22, s5  }
0x9f: {  	[timem:s9], [sflag:s23] =	dma.local [hbm:s7], s21  }
0xa0: {  	_ =	swait.ge [sflag:s23], s21  }
0xa1: {  	s6 =	ssub.s32 $0x0, s21;
	[sflag:s23] =	ssyncset.done $0x0  }
0xa2: {  	[sflag:s23] =	ssyncadd.s32 s6;
	_ =	sdelay $0x1  }
0xa3: {  	s24 =	simm.s32 $0x1B8B  }
0xa4: {  	_ =	swait.ge [sflag:s24], $0x1  }
0xa5: {  	[sflag:s24] =	ssyncset.done $0x0  }
0xa6: {  	s25 =	simm.s32 $0x1B8E;
	[sflag:s24] =	ssyncadd.s32 $0xFFFFFFFF  }
0xa7: {  	s26 =	simm.s32 $execute0_lowered;
	[smem:$0x3FD2] =	sst s25  }
0xa8: {  	s6 =	sshll.u32 s26, $0x1;
	_ =	strace $0x80000046;
	[dreg:$0x1] =	wrdreg $0xFFFFFFFF  }
0xa9: {  	s28 =	simm.s32 $_size_execute0_lowered;
	s5 =	sadd.s32 s5, s6;
	[dreg:$0x0] =	wrdreg $0x0  }
0xaa: {  	s6 =	sshll.u32 s28, $0x1;
	[dreg:$0x2] =	wrdreg s5  }
0xab: {  	[dreg:$0x3] =	wrdreg s6  }
0xac: {  	[dreg:$0x4] =	wrdreg $0xC0  }
0xad: {  	_ =	task [dreg:s9], $0x5FFFF  }
0xae: {  	[dreg:$0x1] =	wrdreg $0xFFFFFFFF  }
0xaf: {  	[dreg:$0x0] =	wrdreg $0x60  }
0xb0: {  	[dreg:$0x2] =	wrdreg s2  }
0xb1: {  	[dreg:$0x3] =	wrdreg s19  }
0xb2: {  	[dreg:$0x4] =	wrdreg s4  }
0xb3: {  	[dreg:$0x5] =	wrdreg $0x9  }
0xb4: {  	_ =	task.clear_ibuf [dreg:s9], $0x6FFFF;
	_ =	strace $0x90000046  }
0xb5: {  	s29 =	simm.s32 $0x9;
	_ =	strace $0x80000048  }
0xb6: {  	_ =	swait.ge [sflag:s29], $0x1  }
0xb7: {  	[sflag:s29] =	ssyncadd.s32 $0xFFFFFFFF  }
0xb8: {  	_ =	strace $0x90000048  }
0xb9: {  	_ =	sfence  }
0xba: {  	s30 =	sld [smem:$0x0];
	_ =	sdelay $0x2  }
0xbb: {  	s31 =	sshll.u32 s1, $0xD;
	s1 =	sshrl.u32 s1, $0x2  }
0xbc: {  	s3 =	sand.u32 $0x4000, s31;
	s1 =	sadd.s32 s1, s30  }
0xbd: {  	s0 =	sor.u32 s3, s0;
	s1 =	sshll.u32 s1, $0x11  }
0xbe: {  	s0 =	sor.u32 s1, s0  }
0xbf: {  	s0 =	sadd.s32 $0x8F2B, s0  }
0xc0: {  	[sflag:s0] =	ssyncadd.remote.s32 $0x1  }
0xc1: {  	_ =	sfence.sel $0xFFFF  }
0xc2: {  	[dreg:$0x0] =	wrdreg $0xFFFFFFFF;
	(pc) =	sbr.abs _section_cstart, $3  }
0xc3: {  	[dreg:$0x1] =	wrdreg $0xFFFFFFFF  }
0xc4: {  	_ =	task.clear_ibuf [dreg:s9], $0x2FFFF;
	_ =	strace $0x9FFFFFFF  }
0xc5: {  	(tm) =	ssettm $0x7FFFFFFF  }
tec
execute0_lowered:
.L_overlay_start_1:
0x0: {  	(tag) =	ssettag $0x1  }
0x1: {  	s1 =	rddreg [dreg:$0x0]  }
0x2: {  	s2 =	rddreg [dreg:$0x1];
	s0 =	srdreg.scid  }
0x3: {  	s4 =	rddreg [dreg:$0x2];
	s3 =	stileid.u32  }
0x4: {  	s5 =	simm.s32 $0x0;
	s10 =	simm.s32 $0x18700;
	s11 =	simm.s32 $0x2  }
0x5: {  	s12 =	simm.s32 $0x1;
	s13 =	simm.s32 $0x0;
	s6 =	sand.u32 $0x1, s0  }
0x6: {  	s0 =	rddreg [dreg:$0x3];
	s9 =	sshll.u32 s3, $0x1;
	s7 =	ssub.s32 $0x2, s6  }
0x7: {  	[smem:$0x7FF] =	sst s5;
	s6 =	sor.u32 s6, s9;
	s8 =	sshrl.u32 s7, $0x1  }
0x8: {  	_ =	strace $0x80000047;
	s9 =	simm.s32 $0x400;
	s7 =	ssub.s32 s7, s8  }
0x9: {  	s6 =	smul.u32 $0x1A, s6;
	s8 =	simm.s32 $0x80;
	s7 =	smax.u32 s7, $0x1  }
.LBB2_1:
0xa: {  	s14 =	simm.s32 $0x0  }
.LBB2_2:
0xb: {  	s17 =	sadd.s32 s6, s14  }
0xc: {  	p0 =	seq.s32 s14, $0x0;
	s15 =	sand.u32 $0x1F, s17  }
0xd: {  	p1 =	sne.s32 @!p0 s15, $0x0  }
0xe: {  	s16 =	sshrl.u32 s17, $0x5;
	p0 =	por p0, !p1  }
0xf: {  	s18 =	sshll.u32 @p0 s16, $0x4  }
0x10: {  	s19 =	sshll.u32 @p0 s16, $0xB;
	s18 =	sand.u32 @p0 $0x70, s18  }
0x11: {  	s19 =	sand.u32 @p0 $0xFFFC000, s19;
	s18 =	sadd.s32 @p0 s1, s18  }
0x12: {  	s29 =	sshrl.u32 s15, $0x3;
	s16 =	smul.u32 $0x30E000, s16;
	s18 =	sadd.s32 @p0 s19, s18  }
0x13: {  	[tilespmem:s10], [sflag:$0x2] =	stream.strided.gather @p0 [hbm4b:s18+s8], $0x4000, s9, s8, $0x38;
	[tilespmem:$0x1E700] =	vst v63  }
0x14: {  	s18 =	smul.u32 $0xC3800, s29  }
0x15: {  	s15 =	sshll.u32 s15, $0x7  }
0x16: {  	s15 =	sand.u32 $0x380, s15;
	s16 =	sadd.s32 s16, s18  }
0x17: {  	_ =	swait.ge @p0 [sflag:s11], $0x4000;
	s15 =	sor.u32 s15, s16  }
0x18: {  	s20 =	simm.s32 $0x18780;
	[sflag:s11] =	ssyncset.done @p0 $0x0;
	s15 =	sshrl.u32 s15, $0x3  }
0x19: {  	[sflag:s11] =	ssyncadd.s32 @p0 $0xFFFFC000;
	s30 =	sadd.s32 s2, s15;
	s15 =	simm.s32 $0x0  }
0x1a: {  	[tilespmem:s15], [sflag:$0x2] =	stream.strided.gather [hbm4b:s30+s8], $0x18700, s9, s8, $0x38;
	[tilespmem:$0x1E700] =	vst v63  }
0x1b: {  	s31 =	sshll.u32 s17, $0x4;
	s17 =	sand.u32 $0x7F8, s17;
	_ =	swait.ge [sflag:s11], $0x18700  }
0x1c: {  	s19 =	simm.s32 $0x1C970;
	s18 =	sand.u32 $0x70, s31;
	[sflag:s11] =	ssyncset.done $0x0  }
0x1d: {  	s16 =	sshll.u32 s14, $0x3;
	s18 =	sadd.s32 s4, s18;
	[sflag:s11] =	ssyncadd.s32 $0xFFFE7900  }
.LBB2_3:
0x1e: {  	s21 =	sadd.s32 s16, s15  }
0x1f: {  	p0 =	slt.u32 s21, $0x3  }
0x20: {  	s21 =	simm.s32 @!p0 $0x1  }
0x21: {  	_ =	swait.ge @!p0 [sflag:s21], $0x800  }
0x22: {  	[sflag:s21] =	ssyncset.done @!p0 $0x0  }
0x23: {  	[sflag:s21] =	ssyncadd.s32 @!p0 $0xFFFFF800  }
0x24: {  	v0 =	vld [tilespmem:s20+$0x70]  }
0x25: {  	v1 =	vld [tilespmem:s20+$0xFFFFFF90]  }
0x26: {  	v2 =	vld [tilespmem:s20+$0xFFFFFFA0]  }
0x27: {  	v3 =	vld [tilespmem:s20+$0xFFFFFFB0]  }
0x28: {  	v4 =	vld [tilespmem:s20+$0xFFFFFFC0]  }
0x29: {  	v5 =	vld [tilespmem:s20+$0xFFFFFFD0]  }
0x2a: {  	v6 =	vld [tilespmem:s20+$0xFFFFFFE0]  }
0x2b: {  	v7 =	vld [tilespmem:s20+$0xFFFFFFF0]  }
0x2c: {  	v9 =	vld [tilespmem:s20+$0x0]  }
0x2d: {  	v10 =	vld [tilespmem:s20+$0x10]  }
0x2e: {  	v11 =	vld [tilespmem:s20+$0x20]  }
0x2f: {  	s30 =	smulhi.u32 $0xAAAAAAAB, s15;
	v12 =	vld [tilespmem:s20+$0x30]  }
0x30: {  	v13 =	vld [tilespmem:s20+$0x40]  }
0x31: {  	s21 =	sshrl.u32 s30, $0x1;
	v14 =	vld [tilespmem:s20+$0x50]  }
0x32: {  	s21 =	smul.u32 $0xFFFFFA00, s21;
	v15 =	vld [tilespmem:s20+$0x60]  }
0x33: {  	v16 =	vld [tilespmem:s20+$0xFFFFFF80]  }
0x34: {  	s21 =	sshra.s32 s21, $0x2;
	v8 =	vld.idx.msk [tilespmem:v0+s5+$0x0], $0xffff  }
0x35: {  	v0 =	vmov s21;
	v1 =	vld.idx.msk [tilespmem:v1+s5+$0x0], $0xffff  }
0x36: {  	v2 =	vld.idx.msk [tilespmem:v2+s5+$0x0], $0xffff  }
0x37: {  	v3 =	vld.idx.msk [tilespmem:v3+s5+$0x0], $0xffff  }
0x38: {  	v4 =	vld.idx.msk [tilespmem:v4+s5+$0x0], $0xffff  }
0x39: {  	v5 =	vld.idx.msk [tilespmem:v5+s5+$0x0], $0xffff  }
0x3a: {  	s31 =	smul.u32 $0xAB, s15;
	v6 =	vld.idx.msk [tilespmem:v6+s5+$0x0], $0xffff;
	[tilespmem:v0+s19+$0x0 ss:$0x1] =	vst.idx.msk $0xffff, v8  }
0x3b: {  	v7 =	vld.idx.msk [tilespmem:v7+s5+$0x0], $0xffff;
	[tilespmem:v0+s19+$0xFFFFFDA0 ss:$0x1] =	vst.idx.msk $0xffff, v1  }
0x3c: {  	s21 =	sshrl.u32 s31, $0x9;
	v9 =	vld.idx.msk [tilespmem:v9+s5+$0x0], $0xffff;
	[tilespmem:v0+s19+$0xFFFFFDB0 ss:$0x1] =	vst.idx.msk $0xffff, v2  }
0x3d: {  	s21 =	sand.u32 $0x7F, s21;
	v8 =	vld.idx.msk [tilespmem:v16+s5+$0x0], $0xffff;
	[tilespmem:v0+s19+$0xFFFFFDC0 ss:$0x1] =	vst.idx.msk $0xffff, v3  }
0x3e: {  	s21 =	smul.u32 $0x3, s21;
	[tilespmem:v0+s19+$0xFFFFFDD0 ss:$0x1] =	vst.idx.msk $0xffff, v4;
	v1 =	vld.idx.msk [tilespmem:v10+s5+$0x0], $0xffff  }
0x3f: {  	[tilespmem:v0+s19+$0xFFFFFDE0 ss:$0x1] =	vst.idx.msk $0xffff, v5;
	v2 =	vld.idx.msk [tilespmem:v11+s5+$0x0], $0xffff  }
0x40: {  	s21 =	ssub.s32 s15, s21;
	[tilespmem:v0+s19+$0xFFFFFDF0 ss:$0x1] =	vst.idx.msk $0xffff, v6;
	v3 =	vld.idx.msk [tilespmem:v12+s5+$0x0], $0xffff  }
0x41: {  	s21 =	sand.u32 $0xFF, s21;
	[tilespmem:v0+s19+$0xFFFFFE00 ss:$0x1] =	vst.idx.msk $0xffff, v7;
	v4 =	vld.idx.msk [tilespmem:v13+s5+$0x0], $0xffff  }
0x42: {  	s24 =	simm.s32 $0x0;
	v5 =	vld.idx.msk [tilespmem:v14+s5+$0x0], $0xffff;
	[tilespmem:v0+s19+$0xFFFFFF90 ss:$0x1] =	vst.idx.msk $0xffff, v9;
	s21 =	sshll.u32 s21, $0x7  }
0x43: {  	s25 =	sadd.s32 $0x100, s20;
	s23 =	smov.u32 s19;
	v6 =	vld.idx.msk [tilespmem:v15+s5+$0x0], $0xffff;
	s22 =	sadd.s32 $0x1C700, s21;
	[tilespmem:v0+s19+$0xFFFFFD90 ss:$0x1] =	vst.idx.msk $0xffff, v8  }
.LBB2_4:
0x44: {  	v7 =	vld [tilespmem:s25+$0x70];
	s24 =	sadd.s32 $0x10, s24;
	[tilespmem:v0+s23+$0xFFFFFFA0 ss:$0x1] =	vst.idx.msk $0xffff, v1  }
0x45: {  	v1 =	vld [tilespmem:s25+$0xFFFFFF90];
	p0 =	slt.u32 s24, $0x70;
	[tilespmem:v0+s23+$0xFFFFFFB0 ss:$0x1] =	vst.idx.msk $0xffff, v2  }
0x46: {  	v2 =	vld [tilespmem:s25+$0xFFFFFFA0];
	[tilespmem:v0+s23+$0xFFFFFFC0 ss:$0x1] =	vst.idx.msk $0xffff, v3  }
0x47: {  	v3 =	vld [tilespmem:s25+$0xFFFFFFB0];
	[tilespmem:v0+s23+$0xFFFFFFD0 ss:$0x1] =	vst.idx.msk $0xffff, v4  }
0x48: {  	v4 =	vld [tilespmem:s25+$0xFFFFFFC0];
	[tilespmem:v0+s23+$0xFFFFFFE0 ss:$0x1] =	vst.idx.msk $0xffff, v5  }
0x49: {  	v5 =	vld [tilespmem:s25+$0xFFFFFFD0];
	[tilespmem:v0+s23+$0xFFFFFFF0 ss:$0x1] =	vst.idx.msk $0xffff, v6  }
0x4a: {  	v6 =	vld [tilespmem:s25+$0xFFFFFFE0]  }
0x4b: {  	v8 =	vld [tilespmem:s25+$0xFFFFFFF0]  }
0x4c: {  	v7 =	vld.idx.msk [tilespmem:v7+s5+$0x0], $0xffff  }
0x4d: {  	v9 =	vld [tilespmem:s25+$0x0]  }
0x4e: {  	v10 =	vld [tilespmem:s25+$0x10]  }
0x4f: {  	v11 =	vld [tilespmem:s25+$0x20]  }
0x50: {  	v12 =	vld [tilespmem:s25+$0x30]  }
0x51: {  	s23 =	sadd.s32 $0x400, s23;
	v13 =	vld [tilespmem:s25+$0x40]  }
0x52: {  	v14 =	vld [tilespmem:s25+$0x50];
	[tilespmem:v0+s23+$0x0 ss:$0x1] =	vst.idx.msk $0xffff, v7  }
0x53: {  	v7 =	vld [tilespmem:s25+$0x60]  }
0x54: {  	v15 =	vld [tilespmem:s25+$0xFFFFFF80]  }
0x55: {  	v1 =	vld.idx.msk [tilespmem:v1+s5+$0x0], $0xffff  }
0x56: {  	v2 =	vld.idx.msk [tilespmem:v2+s5+$0x0], $0xffff  }
0x57: {  	v3 =	vld.idx.msk [tilespmem:v3+s5+$0x0], $0xffff  }
0x58: {  	v4 =	vld.idx.msk [tilespmem:v4+s5+$0x0], $0xffff  }
0x59: {  	v5 =	vld.idx.msk [tilespmem:v5+s5+$0x0], $0xffff  }
0x5a: {  	v6 =	vld.idx.msk [tilespmem:v6+s5+$0x0], $0xffff  }
0x5b: {  	[tilespmem:v0+s23+$0xFFFFFDA0 ss:$0x1] =	vst.idx.msk $0xffff, v1;
	v8 =	vld.idx.msk [tilespmem:v8+s5+$0x0], $0xffff  }
0x5c: {  	v15 =	vld.idx.msk [tilespmem:v15+s5+$0x0], $0xffff;
	[tilespmem:v0+s23+$0xFFFFFDB0 ss:$0x1] =	vst.idx.msk $0xffff, v2  }
0x5d: {  	[tilespmem:v0+s23+$0xFFFFFDC0 ss:$0x1] =	vst.idx.msk $0xffff, v3;
	v9 =	vld.idx.msk [tilespmem:v9+s5+$0x0], $0xffff  }
0x5e: {  	[tilespmem:v0+s23+$0xFFFFFDD0 ss:$0x1] =	vst.idx.msk $0xffff, v4;
	v1 =	vld.idx.msk [tilespmem:v10+s5+$0x0], $0xffff  }
.Ltmp0:
0x5f: {  	[tilespmem:v0+s23+$0xFFFFFDE0 ss:$0x1] =	vst.idx.msk $0xffff, v5;
	v2 =	vld.idx.msk [tilespmem:v11+s5+$0x0], $0xffff;
	(pc) =	sbr.rel @p0 .LBB2_4-.Ltmp0, $4  }
0x60: {  	[tilespmem:v0+s23+$0xFFFFFDF0 ss:$0x1] =	vst.idx.msk $0xffff, v6;
	v3 =	vld.idx.msk [tilespmem:v12+s5+$0x0], $0xffff  }
0x61: {  	[tilespmem:v0+s23+$0xFFFFFE00 ss:$0x1] =	vst.idx.msk $0xffff, v8;
	v4 =	vld.idx.msk [tilespmem:v13+s5+$0x0], $0xffff  }
0x62: {  	[tilespmem:v0+s23+$0xFFFFFD90 ss:$0x1] =	vst.idx.msk $0xffff, v15;
	v5 =	vld.idx.msk [tilespmem:v14+s5+$0x0], $0xffff  }
0x63: {  	s25 =	sadd.s32 $0x100, s25;
	[tilespmem:v0+s23+$0xFFFFFF90 ss:$0x1] =	vst.idx.msk $0xffff, v9;
	v6 =	vld.idx.msk [tilespmem:v7+s5+$0x0], $0xffff  }
0x64: {  	_ =	sdelay $0x3  }
0x65: {  	[tilespmem:v0+s23+$0xFFFFFFA0 ss:$0x1] =	vst.idx.msk $0xffff, v1  }
0x66: {  	[tilespmem:v0+s23+$0xFFFFFFB0 ss:$0x1] =	vst.idx.msk $0xffff, v2  }
0x67: {  	[tilespmem:v0+s23+$0xFFFFFFC0 ss:$0x1] =	vst.idx.msk $0xffff, v3  }
0x68: {  	s24 =	sadd.s32 s17, s15;
	[tilespmem:v0+s23+$0xFFFFFFD0 ss:$0x1] =	vst.idx.msk $0xffff, v4  }
0x69: {  	s24 =	sshll.u32 s24, $0xB;
	[tilespmem:v0+s23+$0xFFFFFFE0 ss:$0x1] =	vst.idx.msk $0xffff, v5  }
0x6a: {  	[tilespmem:v0+s23+$0xFFFFFFF0 ss:$0x1] =	vst.idx.msk $0xffff, v6;
	s23 =	sadd.s32 s24, s18  }
0x6b: {  	[hbm4b:s23+s5] =	stream.linear.scatter [tilespmem:s22], [sflag:$0x1], $0x80, $0x38;
	[tilespmem:$0x1E700] =	vst v63  }
0x6c: {  	s26 =	sadd.s32 $0x1C900, s21;
	s24 =	sadd.s32 $0x80, s23  }
0x6d: {  	[hbm4b:s24+s5] =	stream.linear.scatter [tilespmem:s26], [sflag:$0x1], $0x80, $0x38;
	[tilespmem:$0x1E700] =	vst v63  }
0x6e: {  	s28 =	sadd.s32 $0x1CB00, s21;
	s29 =	sadd.s32 $0x100, s23  }
0x6f: {  	[hbm4b:s29+s5] =	stream.linear.scatter [tilespmem:s28], [sflag:$0x1], $0x80, $0x38;
	[tilespmem:$0x1E700] =	vst v63  }
0x70: {  	s30 =	sadd.s32 $0x1CD00, s21;
	s31 =	sadd.s32 $0x180, s23  }
0x71: {  	[hbm4b:s31+s5] =	stream.linear.scatter [tilespmem:s30], [sflag:$0x1], $0x80, $0x38;
	[tilespmem:$0x1E700] =	vst v63  }
0x72: {  	s25 =	sadd.s32 $0x1CF00, s21;
	s26 =	sadd.s32 $0x200, s23  }
0x73: {  	[hbm4b:s26+s5] =	stream.linear.scatter [tilespmem:s25], [sflag:$0x1], $0x80, $0x38;
	[tilespmem:$0x1E700] =	vst v63  }
0x74: {  	s28 =	sadd.s32 $0x1D100, s21;
	s29 =	sadd.s32 $0x280, s23  }
0x75: {  	[hbm4b:s29+s5] =	stream.linear.scatter [tilespmem:s28], [sflag:$0x1], $0x80, $0x38;
	[tilespmem:$0x1E700] =	vst v63  }
0x76: {  	s30 =	sadd.s32 $0x1D300, s21;
	s31 =	sadd.s32 $0x300, s23  }
0x77: {  	[hbm4b:s31+s5] =	stream.linear.scatter [tilespmem:s30], [sflag:$0x1], $0x80, $0x38;
	[tilespmem:$0x1E700] =	vst v63  }
0x78: {  	s25 =	sadd.s32 $0x1D500, s21;
	s26 =	sadd.s32 $0x380, s23  }
0x79: {  	[hbm4b:s26+s5] =	stream.linear.scatter [tilespmem:s25], [sflag:$0x1], $0x80, $0x38;
	[tilespmem:$0x1E700] =	vst v63  }
0x7a: {  	s28 =	sadd.s32 $0x1D700, s21;
	s29 =	sadd.s32 $0x400, s23  }
0x7b: {  	[hbm4b:s29+s5] =	stream.linear.scatter [tilespmem:s28], [sflag:$0x1], $0x80, $0x38;
	[tilespmem:$0x1E700] =	vst v63  }
0x7c: {  	s30 =	sadd.s32 $0x1D900, s21;
	s31 =	sadd.s32 $0x480, s23  }
0x7d: {  	[hbm4b:s31+s5] =	stream.linear.scatter [tilespmem:s30], [sflag:$0x1], $0x80, $0x38;
	[tilespmem:$0x1E700] =	vst v63  }
0x7e: {  	s25 =	sadd.s32 $0x1DB00, s21;
	s26 =	sadd.s32 $0x500, s23  }
0x7f: {  	[hbm4b:s26+s5] =	stream.linear.scatter [tilespmem:s25], [sflag:$0x1], $0x80, $0x38;
	[tilespmem:$0x1E700] =	vst v63  }
0x80: {  	s28 =	sadd.s32 $0x1DD00, s21;
	s29 =	sadd.s32 $0x580, s23  }
0x81: {  	[hbm4b:s29+s5] =	stream.linear.scatter [tilespmem:s28], [sflag:$0x1], $0x80, $0x38;
	[tilespmem:$0x1E700] =	vst v63  }
0x82: {  	s15 =	sadd.s32 $0x1, s15;
	s30 =	sadd.s32 $0x1DF00, s21;
	s31 =	sadd.s32 $0x600, s23  }
0x83: {  	[hbm4b:s31+s5] =	stream.linear.scatter [tilespmem:s30], [sflag:$0x1], $0x80, $0x38;
	[tilespmem:$0x1E700] =	vst v63  }
0x84: {  	p0 =	sne.s32 s15, $0x8;
	s25 =	sadd.s32 $0x1E100, s21;
	s26 =	sadd.s32 $0x680, s23  }
0x85: {  	[hbm4b:s26+s5] =	stream.linear.scatter [tilespmem:s25], [sflag:$0x1], $0x80, $0x38;
	[tilespmem:$0x1E700] =	vst v63  }
.Ltmp1:
0x86: {  	_ = 	snop;
	(pc) =	sbr.rel @p0 .LBB2_3-.Ltmp1, $4  }
0x87: {  	s19 =	sadd.s32 $0x80, s19;
	s28 =	sadd.s32 $0x1E300, s21;
	s29 =	sadd.s32 $0x700, s23  }
0x88: {  	[hbm4b:s29+s5] =	stream.linear.scatter [tilespmem:s28], [sflag:$0x1], $0x80, $0x38;
	[tilespmem:$0x1E700] =	vst v63  }
0x89: {  	s20 =	sadd.s32 $0x800, s20;
	s30 =	sadd.s32 $0x1E500, s21;
	s31 =	sadd.s32 $0x780, s23  }
0x8a: {  	[hbm4b:s31+s5] =	stream.linear.scatter [tilespmem:s30], [sflag:$0x1], $0x80, $0x38;
	[tilespmem:$0x1E700] =	vst v63  }
0x8b: {  	s14 =	sadd.s32 $0x1, s14  }
0x8c: {  	p0 =	sne.s32 s14, $0x1A  }
.Ltmp2:
0x8d: {  	_ = 	snop;
	(pc) =	sbr.rel @p0 .LBB2_2-.Ltmp2, $1  }
0x8e: {  	_ =	sdelay $0x3  }
0x8f: {  	_ =	swait.ge [sflag:s12], $0x800  }
0x90: {  	[sflag:s12] =	ssyncset.done $0x0  }
0x91: {  	s13 =	sadd.s32 $0x1, s13;
	[sflag:s12] =	ssyncadd.s32 $0xFFFFF800  }
0x92: {  	p0 =	sne.s32 s13, s7;
	_ =	swait.ge [sflag:s12], $0x800  }
.Ltmp3:
0x93: {  	[sflag:s12] =	ssyncset.done $0x0;
	(pc) =	sbr.rel @p0 .LBB2_1-.Ltmp3, $4  }
0x94: {  	[sflag:s12] =	ssyncadd.s32 $0xFFFFF800  }
0x95: {  	_ =	swait.ge [sflag:s12], $0x800  }
0x96: {  	[sflag:s12] =	ssyncset.done $0x0  }
0x97: {  	[sflag:s12] =	ssyncadd.s32 $0xFFFFF800  }
0x98: {  	_ =	sfence.sel $0x180000  }
0x99: {  	[bflag:$0x0] =	sbarrier.arrive $0xFFFF  }
0x9a: {  	p0 =	sne.s32 s3, $0x0;
	_ =	strace $0x90000047  }
0x9b: {  	s0 =	sadd.s32 @!p0 $0x100000, s0;
	[bflag:$0x2] =	sbarrier.arrive $0xFFFF  }
0x9c: {  	[sflag:s0] =	ssyncadd.tile.s32 @!p0 $0x1;
	_ =	shalt  }
.Lfunc_end2:
_tile_overlayer_lowered:
.L_overlay_start_2:
0x9d: {  	(tag) =	ssettag $0x2  }
0x9e: {  	s0 =	rddreg [dreg:$0x0];
	s2 =	stileid.u32  }
0x9f: {  	s1 =	rddreg [dreg:$0x1];
	p0 =	sne.s32 s2, $0x0  }
0xa0: {  	s3 =	rddreg [dreg:$0x2];
	[bflag:$0x3] =	sbarrier.arrive $0xFFFF;
	s2 =	simm.s32 @!p0 $0x1C02  }
0xa1: {  	[timem:s3], [sflag:s2] =	dma.local @!p0 [hbm:s0], s1  }
0xa2: {  	s0 =	simm.s32 @!p0 $0x2  }
0xa3: {  	_ =	swait.ge @!p0 [sflag:s0], s1  }
0xa4: {  	s1 =	ssub.s32 @!p0 $0x0, s1;
	[sflag:s0] =	ssyncset.done @!p0 $0x0  }
0xa5: {  	[sflag:s0] =	ssyncadd.s32 @!p0 s1  }
0xa6: {  	[bflag:$0x3] =	sbarrier.arrive $0xFFFF  }
0xa7: {  	_ =	shalt  }

</sc_bundles>
